<compile_context>
chip_gen: v7x
topology: tpu7x:2x2x1
jax: 0.10.2.dev20260603
libtpu: 0.0.44.dev20260713+nightly
codegen_flags: <defaults>
</compile_context>

<pallas_src>
import functools

import jax
import jax.numpy as jnp
import numpy as np
from jax import lax
from jax.experimental import pallas as pl
from jax.experimental.pallas import tpu as pltpu
from jax.experimental.pallas import tpu_sc as plsc

_PAT_LEN = 6
_TABLE_SIZE = 16 ** _PAT_LEN
_PATTERNS = [[0, 1, 2, 3, 4, 5], [4, 5, 6, 7, 8, 9],
             [0, 1, 2, 4, 5, 6], [4, 5, 6, 8, 9, 10]]


def _symmetries(pattern):
    syms = []
    a = np.zeros((4, 4)).flatten()
    a[pattern] = 1
    a = a.reshape(4, 4)
    for _ in range(2):
        for _ in range(4):
            syms.append([i for i in range(16) if a.flatten()[i] == 1])
            a = np.rot90(a)
        a = a.T
    return syms


_SYM = []
for _p in _PATTERNS:
    _SYM.extend(_symmetries(_p))
_SYM = np.asarray(_SYM, dtype=np.int32)


def _pack4(vals16):
    lo = hi = 0
    for lane in range(8):
        lo |= int(vals16[lane]) << (4 * lane)
        hi |= int(vals16[lane + 8]) << (4 * lane)
    return int(np.int32(np.uint32(lo))), int(np.int32(np.uint32(hi)))


_COORD_IMM = [[_pack4(_SYM[g * 16:(g + 1) * 16, j]) for j in range(_PAT_LEN)]
              for g in range(2)]

_mesh = plsc.VectorSubcoreMesh(
    core_axis_name="c", subcore_axis_name="s", num_cores=1, num_subcores=1
)


@functools.partial(
    pl.kernel,
    out_type=jax.ShapeDtypeStruct((16,), jnp.float32),
    mesh=_mesh,
    compiler_params=pltpu.CompilerParams(needs_layout_passes=False),
    scratch_types=[
        pltpu.VMEM((16,), jnp.int32),
        pltpu.VMEM((16,), jnp.int32),
        pltpu.VMEM((32,), jnp.int32),
        pltpu.VMEM((32, 128), jnp.float32),
        pltpu.VMEM((16,), jnp.float32),
        pltpu.SemaphoreType.DMA,
    ],
)
def _sc_kernel(board_hbm, w_hbm, out_hbm,
               board_v, exps_v, idx_v, vals_v, out_v, sem):
    pltpu.sync_copy(board_hbm, board_v)

    io = lax.iota(jnp.int32, 16)
    sh = jnp.bitwise_and(io, 7) * 4
    lo_lane = io < 8

    b = board_v[...]
    e = jnp.zeros((16,), jnp.int32)
    for k in range(1, 15):
        e = e + jnp.where(b >= (1 << k), 1, 0)
    exps_v[...] = e

    feats = []
    for g in range(2):
        acc = jnp.zeros((16,), jnp.int32)
        for j in range(_PAT_LEN):
            lo, hi = _COORD_IMM[g][j]
            packed = jnp.where(lo_lane, jnp.full((16,), lo, jnp.int32),
                               jnp.full((16,), hi, jnp.int32))
            coords = jnp.bitwise_and(lax.shift_right_logical(packed, sh), 15)
            acc = acc * 16 + plsc.load_gather(exps_v, [coords])
        feats.append(acc)
        tab = lax.shift_right_logical(io, 3) + 2 * g
        rows = lax.shift_left(lax.shift_right_logical(acc, 7), 2) + tab
        idx_v[pl.ds(g * 16, 16)] = rows

    pltpu.async_copy(w_hbm.at[idx_v], vals_v, sem).wait()

    picked = []
    for g in range(2):
        pat = io + g * 16
        col = jnp.bitwise_and(feats[g], 127)
        picked.append(plsc.load_gather(vals_v, [pat, col]))

    total = jnp.sum(picked[0] + picked[1])
    out_v[...] = jnp.full((16,), total, jnp.float32)
    pltpu.sync_copy(out_v, out_hbm)


def kernel(board, W):
    w_view = W.reshape(4, _TABLE_SIZE // 128, 128).swapaxes(0, 1).reshape(
        4 * _TABLE_SIZE // 128, 128)
    out = _sc_kernel(board.reshape(-1), w_view)
    return out[0]

# --- scband reference (transcript-rebuilt; emitter-appended) ---
"""Pipeline reference for scband-ntuple-approximator-3667902071457 (READ-ONLY COPY).

The authoritative reference and input builder live on the scoring server;
editing this copy changes nothing except your own understanding.
"""

import jax, jax.numpy as jnp
import numpy as np

BOARD_SIZE = 4
PATTERNS = [[0, 1, 2, 3, 4, 5], [4, 5, 6, 7, 8, 9], [0, 1, 2, 4, 5, 6], [4, 5, 6, 8, 9, 10]]
PAT_LEN = len(PATTERNS[0])
NUM_TABLES = len(PATTERNS)
TABLE_SIZE = 16 ** PAT_LEN


def generate_symmetries(pattern):
    # faithful replication of the torch module: marks cells on a 4x4 grid,
    # rotates/transposes, and collects marked flat indices in ASCENDING order
    syms = []
    a = np.zeros((4, 4)).flatten()
    a[pattern] = 1
    a = a.reshape(4, 4)
    for _ in range(2):
        for _ in range(4):
            syms.append([i for i in range(16) if a.flatten()[i] == 1])
            a = np.rot90(a)
        a = a.T
    return syms


SYM_PATTERNS = []
for _p in PATTERNS:
    SYM_PATTERNS.extend(generate_symmetries(_p))
SYM_COORDS = np.asarray(SYM_PATTERNS, dtype=np.int32)          # [32, 6]
TABLE_IDX = (np.arange(SYM_COORDS.shape[0]) // 8).astype(np.int32)  # pi // 8
POWERS = (16 ** np.arange(PAT_LEN - 1, -1, -1)).astype(np.int32)    # base-16 digits


def setup_inputs(seed: int = 0) -> dict:
    key = jax.random.key(seed)
    k1, k2 = jax.random.split(key)
    # 2048-style board: 0 = empty, otherwise a power of two with exponent < 15
    raw = jax.random.randint(k1, (4, 4), 0, 15)
    board = jnp.where(raw == 0, 0, 2 ** raw).astype(jnp.int32)
    # learned lookup tables: 4 patterns x 16^6 entries (zeros in the original;
    # small random values here so the gather is observable)
    W = jax.random.normal(k2, (NUM_TABLES, TABLE_SIZE), dtype=jnp.float32) * 0.01
    return {"board": board, "W": W}


def reference(board, W):
    flat = board.reshape(-1)
    # tile_to_index: 0 -> 0, tile -> log2(tile)
    exps = jnp.where(
        flat == 0,
        0,
        jnp.log2(jnp.maximum(flat, 1).astype(jnp.float32)).round().astype(jnp.int32),
    )
    gathered = exps[jnp.asarray(SYM_COORDS)]                   # [32, 6]
    feats = (gathered * jnp.asarray(POWERS)).sum(axis=1)       # [32] feature indices
    vals = W[jnp.asarray(TABLE_IDX), feats]                    # gather from big tables
    return vals.sum()

if __name__ == "__main__":
    import jax
    _d = setup_inputs()
    print(jax.jit(kernel)(*tuple(_d.values())))

</pallas_src>

<mosaic_0001>
#map = affine_map<(d0, d1) -> (0)>
#map1 = affine_map<(d0, d1) -> (0, 0)>
module attributes {stable_mosaic.version = 14 : i64} {
  func.func @_sc_kernel(%arg0: i32, %arg1: i32, %arg2: memref<16xi32, #tpu.memory_space<hbm>>, %arg3: memref<524288x128xf32, #tpu.memory_space<hbm>>, %arg4: memref<16xf32, #tpu.memory_space<hbm>>, %arg5: memref<16xi32, #tpu.memory_space<vmem>>, %arg6: memref<16xi32, #tpu.memory_space<vmem>>, %arg7: memref<32xi32, #tpu.memory_space<vmem>>, %arg8: memref<32x128xf32, #tpu.memory_space<vmem>>, %arg9: memref<16xf32, #tpu.memory_space<vmem>>, %arg10: memref<!tpu.dma_semaphore, #tpu.memory_space<semaphore_mem>>) attributes {dimension_semantics = [#tpu.dimension_semantics<core_parallel>, #tpu.dimension_semantics<subcore_parallel>], iteration_bounds = array<i64: 1, 1>, scalar_prefetch = 0 : i64, scratch_operands = 6 : i64, tpu.core_type = #tpu.core_type<sc_vector_subcore>, window_params = [{transform_indices = #map}, {transform_indices = #map1}, {transform_indices = #map}]} {
    "tpu.region"() ({
      %run_scoped3A = tpu.sem_alloc : memref<!tpu.dma_semaphore, #tpu.memory_space<semaphore_mem>>
      tpu.enqueue_dma source(%arg2 : memref<16xi32, #tpu.memory_space<hbm>>) target(%arg5 : memref<16xi32, #tpu.memory_space<vmem>>) target_semaphore(%run_scoped3A : memref<!tpu.dma_semaphore, #tpu.memory_space<semaphore_mem>>)
      tpu.wait_dma2 semaphore(%run_scoped3A : memref<!tpu.dma_semaphore, #tpu.memory_space<semaphore_mem>>) src(%arg2 : memref<16xi32, #tpu.memory_space<hbm>>) dst(%arg5 : memref<16xi32, #tpu.memory_space<vmem>>)
      tpu.yield
    }) : () -> ()
    %iota3A = tpu.iota {dimensions = array<i32: 0>} : vector<16xi32>
    %and3A = arith.constant 7 : i32
    %and3A_0 = vector.broadcast %and3A : i32 to vector<16xi32>
    %and3A_1 = arith.andi %iota3A, %and3A_0 : vector<16xi32>
    %mul3A = arith.constant 4 : i32
    %mul3A_2 = vector.broadcast %mul3A : i32 to vector<16xi32>
    %mul3A_3 = arith.muli %and3A_1, %mul3A_2 : vector<16xi32>
    %lt3A = arith.constant 8 : i32
    %lt3A_4 = vector.broadcast %lt3A : i32 to vector<16xi32>
    %lt3A_5 = arith.cmpi slt, %iota3A, %lt3A_4 : vector<16xi32>
    %get3A = arith.constant 0 : index
    %get3A_6 = tpu.vector_load %arg5[%get3A] {strides = array<i32>} : memref<16xi32, #tpu.memory_space<vmem>>, vector<16xi32>,
    %broadcast_in_dim3A = arith.constant 0 : i32
    %broadcast_in_dim3A_7 = vector.broadcast %broadcast_in_dim3A : i32 to vector<16xi32>
    %ge3A = arith.constant 2 : i32
    %ge3A_8 = vector.broadcast %ge3A : i32 to vector<16xi32>
    %ge3A_9 = arith.cmpi sge, %get3A_6, %ge3A_8 : vector<16xi32>
    %jit3A = arith.constant 1 : i32
    %jit3A_10 = arith.constant 0 : i32
    %broadcast_in_dim3A_11 = vector.broadcast %jit3A : i32 to vector<16xi32>
    %broadcast_in_dim3A_12 = vector.broadcast %jit3A_10 : i32 to vector<16xi32>
    %select_n3A = arith.select %ge3A_9, %broadcast_in_dim3A_11, %broadcast_in_dim3A_12 : vector<16xi1>, vector<16xi32>
    %add3A = arith.addi %broadcast_in_dim3A_7, %select_n3A : vector<16xi32>
    %ge3A_13 = arith.constant 4 : i32
    %ge3A_14 = vector.broadcast %ge3A_13 : i32 to vector<16xi32>
    %ge3A_15 = arith.cmpi sge, %get3A_6, %ge3A_14 : vector<16xi32>
    %jit3A_16 = arith.constant 1 : i32
    %jit3A_17 = arith.constant 0 : i32
    %broadcast_in_dim3A_18 = vector.broadcast %jit3A_16 : i32 to vector<16xi32>
    %broadcast_in_dim3A_19 = vector.broadcast %jit3A_17 : i32 to vector<16xi32>
    %select_n3A_20 = arith.select %ge3A_15, %broadcast_in_dim3A_18, %broadcast_in_dim3A_19 : vector<16xi1>, vector<16xi32>
    %add3A_21 = arith.addi %add3A, %select_n3A_20 : vector<16xi32>
    %ge3A_22 = arith.constant 8 : i32
    %ge3A_23 = vector.broadcast %ge3A_22 : i32 to vector<16xi32>
    %ge3A_24 = arith.cmpi sge, %get3A_6, %ge3A_23 : vector<16xi32>
    %jit3A_25 = arith.constant 1 : i32
    %jit3A_26 = arith.constant 0 : i32
    %broadcast_in_dim3A_27 = vector.broadcast %jit3A_25 : i32 to vector<16xi32>
    %broadcast_in_dim3A_28 = vector.broadcast %jit3A_26 : i32 to vector<16xi32>
    %select_n3A_29 = arith.select %ge3A_24, %broadcast_in_dim3A_27, %broadcast_in_dim3A_28 : vector<16xi1>, vector<16xi32>
    %add3A_30 = arith.addi %add3A_21, %select_n3A_29 : vector<16xi32>
    %ge3A_31 = arith.constant 16 : i32
    %ge3A_32 = vector.broadcast %ge3A_31 : i32 to vector<16xi32>
    %ge3A_33 = arith.cmpi sge, %get3A_6, %ge3A_32 : vector<16xi32>
    %jit3A_34 = arith.constant 1 : i32
    %jit3A_35 = arith.constant 0 : i32
    %broadcast_in_dim3A_36 = vector.broadcast %jit3A_34 : i32 to vector<16xi32>
    %broadcast_in_dim3A_37 = vector.broadcast %jit3A_35 : i32 to vector<16xi32>
    %select_n3A_38 = arith.select %ge3A_33, %broadcast_in_dim3A_36, %broadcast_in_dim3A_37 : vector<16xi1>, vector<16xi32>
    %add3A_39 = arith.addi %add3A_30, %select_n3A_38 : vector<16xi32>
    %ge3A_40 = arith.constant 32 : i32
    %ge3A_41 = vector.broadcast %ge3A_40 : i32 to vector<16xi32>
    %ge3A_42 = arith.cmpi sge, %get3A_6, %ge3A_41 : vector<16xi32>
    %jit3A_43 = arith.constant 1 : i32
    %jit3A_44 = arith.constant 0 : i32
    %broadcast_in_dim3A_45 = vector.broadcast %jit3A_43 : i32 to vector<16xi32>
    %broadcast_in_dim3A_46 = vector.broadcast %jit3A_44 : i32 to vector<16xi32>
    %select_n3A_47 = arith.select %ge3A_42, %broadcast_in_dim3A_45, %broadcast_in_dim3A_46 : vector<16xi1>, vector<16xi32>
    %add3A_48 = arith.addi %add3A_39, %select_n3A_47 : vector<16xi32>
    %ge3A_49 = arith.constant 64 : i32
    %ge3A_50 = vector.broadcast %ge3A_49 : i32 to vector<16xi32>
    %ge3A_51 = arith.cmpi sge, %get3A_6, %ge3A_50 : vector<16xi32>
    %jit3A_52 = arith.constant 1 : i32
    %jit3A_53 = arith.constant 0 : i32
    %broadcast_in_dim3A_54 = vector.broadcast %jit3A_52 : i32 to vector<16xi32>
    %broadcast_in_dim3A_55 = vector.broadcast %jit3A_53 : i32 to vector<16xi32>
    %select_n3A_56 = arith.select %ge3A_51, %broadcast_in_dim3A_54, %broadcast_in_dim3A_55 : vector<16xi1>, vector<16xi32>
    %add3A_57 = arith.addi %add3A_48, %select_n3A_56 : vector<16xi32>
    %ge3A_58 = arith.constant 128 : i32
    %ge3A_59 = vector.broadcast %ge3A_58 : i32 to vector<16xi32>
    %ge3A_60 = arith.cmpi sge, %get3A_6, %ge3A_59 : vector<16xi32>
    %jit3A_61 = arith.constant 1 : i32
    %jit3A_62 = arith.constant 0 : i32
    %broadcast_in_dim3A_63 = vector.broadcast %jit3A_61 : i32 to vector<16xi32>
    %broadcast_in_dim3A_64 = vector.broadcast %jit3A_62 : i32 to vector<16xi32>
    %select_n3A_65 = arith.select %ge3A_60, %broadcast_in_dim3A_63, %broadcast_in_dim3A_64 : vector<16xi1>, vector<16xi32>
    %add3A_66 = arith.addi %add3A_57, %select_n3A_65 : vector<16xi32>
    %ge3A_67 = arith.constant 256 : i32
    %ge3A_68 = vector.broadcast %ge3A_67 : i32 to vector<16xi32>
    %ge3A_69 = arith.cmpi sge, %get3A_6, %ge3A_68 : vector<16xi32>
    %jit3A_70 = arith.constant 1 : i32
    %jit3A_71 = arith.constant 0 : i32
    %broadcast_in_dim3A_72 = vector.broadcast %jit3A_70 : i32 to vector<16xi32>
    %broadcast_in_dim3A_73 = vector.broadcast %jit3A_71 : i32 to vector<16xi32>
    %select_n3A_74 = arith.select %ge3A_69, %broadcast_in_dim3A_72, %broadcast_in_dim3A_73 : vector<16xi1>, vector<16xi32>
    %add3A_75 = arith.addi %add3A_66, %select_n3A_74 : vector<16xi32>
    %ge3A_76 = arith.constant 512 : i32
    %ge3A_77 = vector.broadcast %ge3A_76 : i32 to vector<16xi32>
    %ge3A_78 = arith.cmpi sge, %get3A_6, %ge3A_77 : vector<16xi32>
    %jit3A_79 = arith.constant 1 : i32
    %jit3A_80 = arith.constant 0 : i32
    %broadcast_in_dim3A_81 = vector.broadcast %jit3A_79 : i32 to vector<16xi32>
    %broadcast_in_dim3A_82 = vector.broadcast %jit3A_80 : i32 to vector<16xi32>
    %select_n3A_83 = arith.select %ge3A_78, %broadcast_in_dim3A_81, %broadcast_in_dim3A_82 : vector<16xi1>, vector<16xi32>
    %add3A_84 = arith.addi %add3A_75, %select_n3A_83 : vector<16xi32>
    %ge3A_85 = arith.constant 1024 : i32
    %ge3A_86 = vector.broadcast %ge3A_85 : i32 to vector<16xi32>
    %ge3A_87 = arith.cmpi sge, %get3A_6, %ge3A_86 : vector<16xi32>
    %jit3A_88 = arith.constant 1 : i32
    %jit3A_89 = arith.constant 0 : i32
    %broadcast_in_dim3A_90 = vector.broadcast %jit3A_88 : i32 to vector<16xi32>
    %broadcast_in_dim3A_91 = vector.broadcast %jit3A_89 : i32 to vector<16xi32>
    %select_n3A_92 = arith.select %ge3A_87, %broadcast_in_dim3A_90, %broadcast_in_dim3A_91 : vector<16xi1>, vector<16xi32>
    %add3A_93 = arith.addi %add3A_84, %select_n3A_92 : vector<16xi32>
    %ge3A_94 = arith.constant 2048 : i32
    %ge3A_95 = vector.broadcast %ge3A_94 : i32 to vector<16xi32>
    %ge3A_96 = arith.cmpi sge, %get3A_6, %ge3A_95 : vector<16xi32>
    %jit3A_97 = arith.constant 1 : i32
    %jit3A_98 = arith.constant 0 : i32
    %broadcast_in_dim3A_99 = vector.broadcast %jit3A_97 : i32 to vector<16xi32>
    %broadcast_in_dim3A_100 = vector.broadcast %jit3A_98 : i32 to vector<16xi32>
    %select_n3A_101 = arith.select %ge3A_96, %broadcast_in_dim3A_99, %broadcast_in_dim3A_100 : vector<16xi1>, vector<16xi32>
    %add3A_102 = arith.addi %add3A_93, %select_n3A_101 : vector<16xi32>
    %ge3A_103 = arith.constant 4096 : i32
    %ge3A_104 = vector.broadcast %ge3A_103 : i32 to vector<16xi32>
    %ge3A_105 = arith.cmpi sge, %get3A_6, %ge3A_104 : vector<16xi32>
    %jit3A_106 = arith.constant 1 : i32
    %jit3A_107 = arith.constant 0 : i32
    %broadcast_in_dim3A_108 = vector.broadcast %jit3A_106 : i32 to vector<16xi32>
    %broadcast_in_dim3A_109 = vector.broadcast %jit3A_107 : i32 to vector<16xi32>
    %select_n3A_110 = arith.select %ge3A_105, %broadcast_in_dim3A_108, %broadcast_in_dim3A_109 : vector<16xi1>, vector<16xi32>
    %add3A_111 = arith.addi %add3A_102, %select_n3A_110 : vector<16xi32>
    %ge3A_112 = arith.constant 8192 : i32
    %ge3A_113 = vector.broadcast %ge3A_112 : i32 to vector<16xi32>
    %ge3A_114 = arith.cmpi sge, %get3A_6, %ge3A_113 : vector<16xi32>
    %jit3A_115 = arith.constant 1 : i32
    %jit3A_116 = arith.constant 0 : i32
    %broadcast_in_dim3A_117 = vector.broadcast %jit3A_115 : i32 to vector<16xi32>
    %broadcast_in_dim3A_118 = vector.broadcast %jit3A_116 : i32 to vector<16xi32>
    %select_n3A_119 = arith.select %ge3A_114, %broadcast_in_dim3A_117, %broadcast_in_dim3A_118 : vector<16xi1>, vector<16xi32>
    %add3A_120 = arith.addi %add3A_111, %select_n3A_119 : vector<16xi32>
    %ge3A_121 = arith.constant 16384 : i32
    %ge3A_122 = vector.broadcast %ge3A_121 : i32 to vector<16xi32>
    %ge3A_123 = arith.cmpi sge, %get3A_6, %ge3A_122 : vector<16xi32>
    %jit3A_124 = arith.constant 1 : i32
    %jit3A_125 = arith.constant 0 : i32
    %broadcast_in_dim3A_126 = vector.broadcast %jit3A_124 : i32 to vector<16xi32>
    %broadcast_in_dim3A_127 = vector.broadcast %jit3A_125 : i32 to vector<16xi32>
    %select_n3A_128 = arith.select %ge3A_123, %broadcast_in_dim3A_126, %broadcast_in_dim3A_127 : vector<16xi1>, vector<16xi32>
    %add3A_129 = arith.addi %add3A_120, %select_n3A_128 : vector<16xi32>
    %swap3A = arith.constant 0 : index
    %swap3A_130 = tpu.vector_load %arg6[%swap3A] {strides = array<i32>} : memref<16xi32, #tpu.memory_space<vmem>>, vector<16xi32>,
    tpu.vector_store %arg6[%swap3A], %add3A_129 {strides = array<i32>} : memref<16xi32, #tpu.memory_space<vmem>>, vector<16xi32>,
    %broadcast_in_dim3A_131 = arith.constant 0 : i32
    %broadcast_in_dim3A_132 = vector.broadcast %broadcast_in_dim3A_131 : i32 to vector<16xi32>
    %broadcast_in_dim3A_133 = arith.constant 58731008 : i32
    %broadcast_in_dim3A_134 = vector.broadcast %broadcast_in_dim3A_133 : i32 to vector<16xi32>
    %broadcast_in_dim3A_135 = arith.constant 1111561748 : i32
    %broadcast_in_dim3A_136 = vector.broadcast %broadcast_in_dim3A_135 : i32 to vector<16xi32>
    %select_n3A_137 = arith.select %lt3A_5, %broadcast_in_dim3A_134, %broadcast_in_dim3A_136 : vector<16xi1>, vector<16xi32>
    %shift_right_logical3A = arith.shrui %select_n3A_137, %mul3A_3 : vector<16xi32>
    %and3A_138 = arith.constant 15 : i32
    %and3A_139 = vector.broadcast %and3A_138 : i32 to vector<16xi32>
    %and3A_140 = arith.andi %shift_right_logical3A, %and3A_139 : vector<16xi32>
    %mul3A_141 = arith.constant 16 : i32
    %mul3A_142 = vector.broadcast %mul3A_141 : i32 to vector<16xi32>
    %mul3A_143 = arith.muli %broadcast_in_dim3A_132, %mul3A_142 : vector<16xi32>
    %gather3A = tpu.vector_load_idx %arg6[%and3A_140] : memref<16xi32, #tpu.memory_space<vmem>>[vector<16xi32>], vector<16xi32>,
    %add3A_144 = arith.addi %mul3A_143, %gather3A : vector<16xi32>
    %broadcast_in_dim3A_145 = arith.constant 395393857 : i32
    %broadcast_in_dim3A_146 = vector.broadcast %broadcast_in_dim3A_145 : i32 to vector<16xi32>
    %broadcast_in_dim3A_147 = arith.constant 1448224597 : i32
    %broadcast_in_dim3A_148 = vector.broadcast %broadcast_in_dim3A_147 : i32 to vector<16xi32>
    %select_n3A_149 = arith.select %lt3A_5, %broadcast_in_dim3A_146, %broadcast_in_dim3A_148 : vector<16xi1>, vector<16xi32>
    %shift_right_logical3A_150 = arith.shrui %select_n3A_149, %mul3A_3 : vector<16xi32>
    %and3A_151 = arith.constant 15 : i32
    %and3A_152 = vector.broadcast %and3A_151 : i32 to vector<16xi32>
    %and3A_153 = arith.andi %shift_right_logical3A_150, %and3A_152 : vector<16xi32>
    %mul3A_154 = arith.constant 16 : i32
    %mul3A_155 = vector.broadcast %mul3A_154 : i32 to vector<16xi32>
    %mul3A_156 = arith.muli %add3A_144, %mul3A_155 : vector<16xi32>
    %gather3A_157 = tpu.vector_load_idx %arg6[%and3A_153] : memref<16xi32, #tpu.memory_space<vmem>>[vector<16xi32>], vector<16xi32>,
    %add3A_158 = arith.addi %mul3A_156, %gather3A_157 : vector<16xi32>
    %broadcast_in_dim3A_159 = arith.constant 717515906 : i32
    %broadcast_in_dim3A_160 = vector.broadcast %broadcast_in_dim3A_159 : i32 to vector<16xi32>
    %broadcast_in_dim3A_161 = arith.constant 1770346646 : i32
    %broadcast_in_dim3A_162 = vector.broadcast %broadcast_in_dim3A_161 : i32 to vector<16xi32>
    %select_n3A_163 = arith.select %lt3A_5, %broadcast_in_dim3A_160, %broadcast_in_dim3A_162 : vector<16xi1>, vector<16xi32>
    %shift_right_logical3A_164 = arith.shrui %select_n3A_163, %mul3A_3 : vector<16xi32>
    %and3A_165 = arith.constant 15 : i32
    %and3A_166 = vector.broadcast %and3A_165 : i32 to vector<16xi32>
    %and3A_167 = arith.andi %shift_right_logical3A_164, %and3A_166 : vector<16xi32>
    %mul3A_168 = arith.constant 16 : i32
    %mul3A_169 = vector.broadcast %mul3A_168 : i32 to vector<16xi32>
    %mul3A_170 = arith.muli %add3A_158, %mul3A_169 : vector<16xi32>
    %gather3A_171 = tpu.vector_load_idx %arg6[%and3A_167] : memref<16xi32, #tpu.memory_space<vmem>>[vector<16xi32>], vector<16xi32>,
    %add3A_172 = arith.addi %mul3A_170, %gather3A_171 : vector<16xi32>
    %broadcast_in_dim3A_173 = arith.constant 1003847059 : i32
    %broadcast_in_dim3A_174 = vector.broadcast %broadcast_in_dim3A_173 : i32 to vector<16xi32>
    %broadcast_in_dim3A_175 = arith.constant 2056677799 : i32
    %broadcast_in_dim3A_176 = vector.broadcast %broadcast_in_dim3A_175 : i32 to vector<16xi32>
    %select_n3A_177 = arith.select %lt3A_5, %broadcast_in_dim3A_174, %broadcast_in_dim3A_176 : vector<16xi1>, vector<16xi32>
    %shift_right_logical3A_178 = arith.shrui %select_n3A_177, %mul3A_3 : vector<16xi32>
    %and3A_179 = arith.constant 15 : i32
    %and3A_180 = vector.broadcast %and3A_179 : i32 to vector<16xi32>
    %and3A_181 = arith.andi %shift_right_logical3A_178, %and3A_180 : vector<16xi32>
    %mul3A_182 = arith.constant 16 : i32
    %mul3A_183 = vector.broadcast %mul3A_182 : i32 to vector<16xi32>
    %mul3A_184 = arith.muli %add3A_172, %mul3A_183 : vector<16xi32>
    %gather3A_185 = tpu.vector_load_idx %arg6[%and3A_181] : memref<16xi32, #tpu.memory_space<vmem>>[vector<16xi32>], vector<16xi32>,
    %add3A_186 = arith.addi %mul3A_184, %gather3A_185 : vector<16xi32>
    %broadcast_in_dim3A_187 = arith.constant 1860746948 : i32
    %broadcast_in_dim3A_188 = vector.broadcast %broadcast_in_dim3A_187 : i32 to vector<16xi32>
    %broadcast_in_dim3A_189 = arith.constant -1381389608 : i32
    %broadcast_in_dim3A_190 = vector.broadcast %broadcast_in_dim3A_189 : i32 to vector<16xi32>
    %select_n3A_191 = arith.select %lt3A_5, %broadcast_in_dim3A_188, %broadcast_in_dim3A_190 : vector<16xi1>, vector<16xi32>
    %shift_right_logical3A_192 = arith.shrui %select_n3A_191, %mul3A_3 : vector<16xi32>
    %and3A_193 = arith.constant 15 : i32
    %and3A_194 = vector.broadcast %and3A_193 : i32 to vector<16xi32>
    %and3A_195 = arith.andi %shift_right_logical3A_192, %and3A_194 : vector<16xi32>
    %mul3A_196 = arith.constant 16 : i32
    %mul3A_197 = vector.broadcast %mul3A_196 : i32 to vector<16xi32>
    %mul3A_198 = arith.muli %add3A_186, %mul3A_197 : vector<16xi32>
    %gather3A_199 = tpu.vector_load_idx %arg6[%and3A_195] : memref<16xi32, #tpu.memory_space<vmem>>[vector<16xi32>], vector<16xi32>,
    %add3A_200 = arith.addi %mul3A_198, %gather3A_199 : vector<16xi32>
    %broadcast_in_dim3A_201 = arith.constant 2147286997 : i32
    %broadcast_in_dim3A_202 = vector.broadcast %broadcast_in_dim3A_201 : i32 to vector<16xi32>
    %broadcast_in_dim3A_203 = arith.constant -1094849559 : i32
    %broadcast_in_dim3A_204 = vector.broadcast %broadcast_in_dim3A_203 : i32 to vector<16xi32>
    %select_n3A_205 = arith.select %lt3A_5, %broadcast_in_dim3A_202, %broadcast_in_dim3A_204 : vector<16xi1>, vector<16xi32>
    %shift_right_logical3A_206 = arith.shrui %select_n3A_205, %mul3A_3 : vector<16xi32>
    %and3A_207 = arith.constant 15 : i32
    %and3A_208 = vector.broadcast %and3A_207 : i32 to vector<16xi32>
    %and3A_209 = arith.andi %shift_right_logical3A_206, %and3A_208 : vector<16xi32>
    %mul3A_210 = arith.constant 16 : i32
    %mul3A_211 = vector.broadcast %mul3A_210 : i32 to vector<16xi32>
    %mul3A_212 = arith.muli %add3A_200, %mul3A_211 : vector<16xi32>
    %gather3A_213 = tpu.vector_load_idx %arg6[%and3A_209] : memref<16xi32, #tpu.memory_space<vmem>>[vector<16xi32>], vector<16xi32>,
    %add3A_214 = arith.addi %mul3A_212, %gather3A_213 : vector<16xi32>
    %shift_right_logical3A_215 = arith.constant 3 : i32
    %shift_right_logical3A_216 = vector.broadcast %shift_right_logical3A_215 : i32 to vector<16xi32>
    %shift_right_logical3A_217 = arith.shrui %iota3A, %shift_right_logical3A_216 : vector<16xi32>
    %add3A_218 = arith.constant 0 : i32
    %add3A_219 = vector.broadcast %add3A_218 : i32 to vector<16xi32>
    %add3A_220 = arith.addi %shift_right_logical3A_217, %add3A_219 : vector<16xi32>
    %shift_right_logical3A_221 = arith.constant 7 : i32
    %shift_right_logical3A_222 = vector.broadcast %shift_right_logical3A_221 : i32 to vector<16xi32>
    %shift_right_logical3A_223 = arith.shrui %add3A_214, %shift_right_logical3A_222 : vector<16xi32>
    %shift_left3A = arith.constant 2 : i32
    %shift_left3A_224 = vector.broadcast %shift_left3A : i32 to vector<16xi32>
    %shift_left3A_225 = arith.shli %shift_right_logical3A_223, %shift_left3A_224 : vector<16xi32>
    %add3A_226 = arith.addi %shift_left3A_225, %add3A_220 : vector<16xi32>
    %swap3A_227 = arith.constant 0 : index
    %swap3A_228 = tpu.vector_load %arg7[%swap3A_227] {strides = array<i32>} : memref<32xi32, #tpu.memory_space<vmem>>, vector<16xi32>,
    tpu.vector_store %arg7[%swap3A_227], %add3A_226 {strides = array<i32>} : memref<32xi32, #tpu.memory_space<vmem>>, vector<16xi32>,
    %broadcast_in_dim3A_229 = arith.constant 0 : i32
    %broadcast_in_dim3A_230 = vector.broadcast %broadcast_in_dim3A_229 : i32 to vector<16xi32>
    %broadcast_in_dim3A_231 = arith.constant 377497920 : i32
    %broadcast_in_dim3A_232 = vector.broadcast %broadcast_in_dim3A_231 : i32 to vector<16xi32>
    %broadcast_in_dim3A_233 = arith.constant 1430328660 : i32
    %broadcast_in_dim3A_234 = vector.broadcast %broadcast_in_dim3A_233 : i32 to vector<16xi32>
    %select_n3A_235 = arith.select %lt3A_5, %broadcast_in_dim3A_232, %broadcast_in_dim3A_234 : vector<16xi1>, vector<16xi32>
    %shift_right_logical3A_236 = arith.shrui %select_n3A_235, %mul3A_3 : vector<16xi32>
    %and3A_237 = arith.constant 15 : i32
    %and3A_238 = vector.broadcast %and3A_237 : i32 to vector<16xi32>
    %and3A_239 = arith.andi %shift_right_logical3A_236, %and3A_238 : vector<16xi32>
    %mul3A_240 = arith.constant 16 : i32
    %mul3A_241 = vector.broadcast %mul3A_240 : i32 to vector<16xi32>
    %mul3A_242 = arith.muli %broadcast_in_dim3A_230, %mul3A_241 : vector<16xi32>
    %gather3A_243 = tpu.vector_load_idx %arg6[%and3A_239] : memref<16xi32, #tpu.memory_space<vmem>>[vector<16xi32>], vector<16xi32>,
    %add3A_244 = arith.addi %mul3A_242, %gather3A_243 : vector<16xi32>
    %broadcast_in_dim3A_245 = arith.constant 663829073 : i32
    %broadcast_in_dim3A_246 = vector.broadcast %broadcast_in_dim3A_245 : i32 to vector<16xi32>
    %broadcast_in_dim3A_247 = arith.constant 1716659813 : i32
    %broadcast_in_dim3A_248 = vector.broadcast %broadcast_in_dim3A_247 : i32 to vector<16xi32>
    %select_n3A_249 = arith.select %lt3A_5, %broadcast_in_dim3A_246, %broadcast_in_dim3A_248 : vector<16xi1>, vector<16xi32>
    %shift_right_logical3A_250 = arith.shrui %select_n3A_249, %mul3A_3 : vector<16xi32>
    %and3A_251 = arith.constant 15 : i32
    %and3A_252 = vector.broadcast %and3A_251 : i32 to vector<16xi32>
    %and3A_253 = arith.andi %shift_right_logical3A_250, %and3A_252 : vector<16xi32>
    %mul3A_254 = arith.constant 16 : i32
    %mul3A_255 = vector.broadcast %mul3A_254 : i32 to vector<16xi32>
    %mul3A_256 = arith.muli %add3A_244, %mul3A_255 : vector<16xi32>
    %gather3A_257 = tpu.vector_load_idx %arg6[%and3A_253] : memref<16xi32, #tpu.memory_space<vmem>>[vector<16xi32>], vector<16xi32>,
    %add3A_258 = arith.addi %mul3A_256, %gather3A_257 : vector<16xi32>
    %broadcast_in_dim3A_259 = arith.constant 983853954 : i32
    %broadcast_in_dim3A_260 = vector.broadcast %broadcast_in_dim3A_259 : i32 to vector<16xi32>
    %broadcast_in_dim3A_261 = arith.constant 2036684694 : i32
    %broadcast_in_dim3A_262 = vector.broadcast %broadcast_in_dim3A_261 : i32 to vector<16xi32>
    %select_n3A_263 = arith.select %lt3A_5, %broadcast_in_dim3A_260, %broadcast_in_dim3A_262 : vector<16xi1>, vector<16xi32>
    %shift_right_logical3A_264 = arith.shrui %select_n3A_263, %mul3A_3 : vector<16xi32>
    %and3A_265 = arith.constant 15 : i32
    %and3A_266 = vector.broadcast %and3A_265 : i32 to vector<16xi32>
    %and3A_267 = arith.andi %shift_right_logical3A_264, %and3A_266 : vector<16xi32>
    %mul3A_268 = arith.constant 16 : i32
    %mul3A_269 = vector.broadcast %mul3A_268 : i32 to vector<16xi32>
    %mul3A_270 = arith.muli %add3A_258, %mul3A_269 : vector<16xi32>
    %gather3A_271 = tpu.vector_load_idx %arg6[%and3A_267] : memref<16xi32, #tpu.memory_space<vmem>>[vector<16xi32>], vector<16xi32>,
    %add3A_272 = arith.addi %mul3A_270, %gather3A_271 : vector<16xi32>
    %broadcast_in_dim3A_273 = arith.constant 1539669396 : i32
    %broadcast_in_dim3A_274 = vector.broadcast %broadcast_in_dim3A_273 : i32 to vector<16xi32>
    %broadcast_in_dim3A_275 = arith.constant -1702467160 : i32
    %broadcast_in_dim3A_276 = vector.broadcast %broadcast_in_dim3A_275 : i32 to vector<16xi32>
    %select_n3A_277 = arith.select %lt3A_5, %broadcast_in_dim3A_274, %broadcast_in_dim3A_276 : vector<16xi1>, vector<16xi32>
    %shift_right_logical3A_278 = arith.shrui %select_n3A_277, %mul3A_3 : vector<16xi32>
    %and3A_279 = arith.constant 15 : i32
    %and3A_280 = vector.broadcast %and3A_279 : i32 to vector<16xi32>
    %and3A_281 = arith.andi %shift_right_logical3A_278, %and3A_280 : vector<16xi32>
    %mul3A_282 = arith.constant 16 : i32
    %mul3A_283 = vector.broadcast %mul3A_282 : i32 to vector<16xi32>
    %mul3A_284 = arith.muli %add3A_272, %mul3A_283 : vector<16xi32>
    %gather3A_285 = tpu.vector_load_idx %arg6[%and3A_281] : memref<16xi32, #tpu.memory_space<vmem>>[vector<16xi32>], vector<16xi32>,
    %add3A_286 = arith.addi %mul3A_284, %gather3A_285 : vector<16xi32>
    %broadcast_in_dim3A_287 = arith.constant 1859694277 : i32
    %broadcast_in_dim3A_288 = vector.broadcast %broadcast_in_dim3A_287 : i32 to vector<16xi32>
    %broadcast_in_dim3A_289 = arith.constant -1382442279 : i32
    %broadcast_in_dim3A_290 = vector.broadcast %broadcast_in_dim3A_289 : i32 to vector<16xi32>
    %select_n3A_291 = arith.select %lt3A_5, %broadcast_in_dim3A_288, %broadcast_in_dim3A_290 : vector<16xi1>, vector<16xi32>
    %shift_right_logical3A_292 = arith.shrui %select_n3A_291, %mul3A_3 : vector<16xi32>
    %and3A_293 = arith.constant 15 : i32
    %and3A_294 = vector.broadcast %and3A_293 : i32 to vector<16xi32>
    %and3A_295 = arith.andi %shift_right_logical3A_292, %and3A_294 : vector<16xi32>
    %mul3A_296 = arith.constant 16 : i32
    %mul3A_297 = vector.broadcast %mul3A_296 : i32 to vector<16xi32>
    %mul3A_298 = arith.muli %add3A_286, %mul3A_297 : vector<16xi32>
    %gather3A_299 = tpu.vector_load_idx %arg6[%and3A_295] : memref<16xi32, #tpu.memory_space<vmem>>[vector<16xi32>], vector<16xi32>,
    %add3A_300 = arith.addi %mul3A_298, %gather3A_299 : vector<16xi32>
    %broadcast_in_dim3A_301 = arith.constant 2146025430 : i32
    %broadcast_in_dim3A_302 = vector.broadcast %broadcast_in_dim3A_301 : i32 to vector<16xi32>
    %broadcast_in_dim3A_303 = arith.constant -1096111126 : i32
    %broadcast_in_dim3A_304 = vector.broadcast %broadcast_in_dim3A_303 : i32 to vector<16xi32>
    %select_n3A_305 = arith.select %lt3A_5, %broadcast_in_dim3A_302, %broadcast_in_dim3A_304 : vector<16xi1>, vector<16xi32>
    %shift_right_logical3A_306 = arith.shrui %select_n3A_305, %mul3A_3 : vector<16xi32>
    %and3A_307 = arith.constant 15 : i32
    %and3A_308 = vector.broadcast %and3A_307 : i32 to vector<16xi32>
    %and3A_309 = arith.andi %shift_right_logical3A_306, %and3A_308 : vector<16xi32>
    %mul3A_310 = arith.constant 16 : i32
    %mul3A_311 = vector.broadcast %mul3A_310 : i32 to vector<16xi32>
    %mul3A_312 = arith.muli %add3A_300, %mul3A_311 : vector<16xi32>
    %gather3A_313 = tpu.vector_load_idx %arg6[%and3A_309] : memref<16xi32, #tpu.memory_space<vmem>>[vector<16xi32>], vector<16xi32>,
    %add3A_314 = arith.addi %mul3A_312, %gather3A_313 : vector<16xi32>
    %shift_right_logical3A_315 = arith.constant 3 : i32
    %shift_right_logical3A_316 = vector.broadcast %shift_right_logical3A_315 : i32 to vector<16xi32>
    %shift_right_logical3A_317 = arith.shrui %iota3A, %shift_right_logical3A_316 : vector<16xi32>
    %add3A_318 = arith.constant 2 : i32
    %add3A_319 = vector.broadcast %add3A_318 : i32 to vector<16xi32>
    %add3A_320 = arith.addi %shift_right_logical3A_317, %add3A_319 : vector<16xi32>
    %shift_right_logical3A_321 = arith.constant 7 : i32
    %shift_right_logical3A_322 = vector.broadcast %shift_right_logical3A_321 : i32 to vector<16xi32>
    %shift_right_logical3A_323 = arith.shrui %add3A_314, %shift_right_logical3A_322 : vector<16xi32>
    %shift_left3A_324 = arith.constant 2 : i32
    %shift_left3A_325 = vector.broadcast %shift_left3A_324 : i32 to vector<16xi32>
    %shift_left3A_326 = arith.shli %shift_right_logical3A_323, %shift_left3A_325 : vector<16xi32>
    %add3A_327 = arith.addi %shift_left3A_326, %add3A_320 : vector<16xi32>
    %swap3A_328 = arith.constant 16 : index
    %swap3A_329 = tpu.vector_load %arg7[%swap3A_328] {strides = array<i32>} : memref<32xi32, #tpu.memory_space<vmem>>, vector<16xi32>,
    tpu.vector_store %arg7[%swap3A_328], %add3A_327 {strides = array<i32>} : memref<32xi32, #tpu.memory_space<vmem>>, vector<16xi32>,
    %dma_start3A = arith.constant 0 : i32
    %dma_start3A_330 = arith.constant 0 : i32
    %dma_start3A_331 = tpu.memref_slice %arg3[%dma_start3A, %dma_start3A_330] : memref<524288x128xf32, #tpu.memory_space<hbm>> -> memref<524288x128xf32, #tpu.memory_space<hbm>>
    tpu.enqueue_indirect_dma source(%dma_start3A_331 : memref<524288x128xf32, #tpu.memory_space<hbm>>) target(%arg8 : memref<32x128xf32, #tpu.memory_space<vmem>>) offsets(%arg7 : memref<32xi32, #tpu.memory_space<vmem>>) semaphore(%arg10 : memref<!tpu.dma_semaphore, #tpu.memory_space<semaphore_mem>>)
    %dma_wait3A = arith.constant 0 : i32
    %dma_wait3A_332 = arith.constant 0 : i32
    %dma_wait3A_333 = tpu.memref_slice %arg3[%dma_wait3A, %dma_wait3A_332] : memref<524288x128xf32, #tpu.memory_space<hbm>> -> memref<524288x128xf32, #tpu.memory_space<hbm>>
    tpu.wait_indirect_dma semaphore(%arg10 : memref<!tpu.dma_semaphore, #tpu.memory_space<semaphore_mem>>) src(%dma_wait3A_333 : memref<524288x128xf32, #tpu.memory_space<hbm>>) dst(%arg8 : memref<32x128xf32, #tpu.memory_space<vmem>>)
    %add3A_334 = arith.constant 0 : i32
    %add3A_335 = vector.broadcast %add3A_334 : i32 to vector<16xi32>
    %add3A_336 = arith.addi %iota3A, %add3A_335 : vector<16xi32>
    %and3A_337 = arith.constant 127 : i32
    %and3A_338 = vector.broadcast %and3A_337 : i32 to vector<16xi32>
    %and3A_339 = arith.andi %add3A_214, %and3A_338 : vector<16xi32>
    %gather3A_340 = tpu.vector_load_idx %arg8[%add3A_336, %and3A_339] : memref<32x128xf32, #tpu.memory_space<vmem>>[vector<16xi32>, vector<16xi32>], vector<16xf32>,
    %add3A_341 = arith.constant 16 : i32
    %add3A_342 = vector.broadcast %add3A_341 : i32 to vector<16xi32>
    %add3A_343 = arith.addi %iota3A, %add3A_342 : vector<16xi32>
    %and3A_344 = arith.constant 127 : i32
    %and3A_345 = vector.broadcast %and3A_344 : i32 to vector<16xi32>
    %and3A_346 = arith.andi %add3A_314, %and3A_345 : vector<16xi32>
    %gather3A_347 = tpu.vector_load_idx %arg8[%add3A_343, %and3A_346] : memref<32x128xf32, #tpu.memory_space<vmem>>[vector<16xi32>, vector<16xi32>], vector<16xf32>,
    %add3A_348 = arith.addf %gather3A_340, %gather3A_347 : vector<16xf32>
    %reduce_sum3A = arith.constant true
    %reduce_sum3A_349 = vector.broadcast %reduce_sum3A : i1 to vector<16xi1>
    %reduce_sum3A_350 = tpu.scan <sum>, %add3A_348 masked %reduce_sum3A_349 : vector<16xf32>, vector<16xi1> -> vector<16xf32>
    %reduce_sum3A_351 = vector.extract %reduce_sum3A_350[15] : f32 from vector<16xf32>
    %broadcast_in_dim3A_352 = vector.broadcast %reduce_sum3A_351 : f32 to vector<16xf32>
    %swap3A_353 = arith.constant 0 : index
    %swap3A_354 = tpu.vector_load %arg9[%swap3A_353] {strides = array<i32>} : memref<16xf32, #tpu.memory_space<vmem>>, vector<16xf32>,
    tpu.vector_store %arg9[%swap3A_353], %broadcast_in_dim3A_352 {strides = array<i32>} : memref<16xf32, #tpu.memory_space<vmem>>, vector<16xf32>,
    "tpu.region"() ({
      %run_scoped3A = tpu.sem_alloc : memref<!tpu.dma_semaphore, #tpu.memory_space<semaphore_mem>>
      tpu.enqueue_dma source(%arg9 : memref<16xf32, #tpu.memory_space<vmem>>) target(%arg4 : memref<16xf32, #tpu.memory_space<hbm>>) target_semaphore(%run_scoped3A : memref<!tpu.dma_semaphore, #tpu.memory_space<semaphore_mem>>)
      tpu.wait_dma2 semaphore(%run_scoped3A : memref<!tpu.dma_semaphore, #tpu.memory_space<semaphore_mem>>) src(%arg9 : memref<16xf32, #tpu.memory_space<vmem>>) dst(%arg4 : memref<16xf32, #tpu.memory_space<hbm>>)
      tpu.yield
    }) : () -> ()
    return
  }
}

</mosaic_0001>

<sc_bundles>
// kernel: kernel.3.cloned.1.call-start
scs
__scs_entry_jumppad:
0x0: {  	(pc) =	sbr.rel $0x88, $3  }
0x1: {  	(tag) =	ssettag $0x0;
	lr =	simm.s32 $0x1  }
0x2: {  	[smem:$0x3F9F] =	sst lr;
	_ =	strace $0xD0000000  }
0x3: {  	_ = 	snop  }
0x4: {  	_ = 	snop  }
0x5: {  	_ = 	snop  }
0x6: {  	_ = 	snop  }
0x7: {  	_ = 	snop  }
__scs_overlays_trampoline_lowered:
0x8: {  	[smem:$0x3FAE] =	sst s0  }
0x9: {  	[smem:$0x3FAF] =	sst s1  }
0xa: {  	[smem:$0x3FB0] =	sst s2  }
0xb: {  	[smem:$0x3FB1] =	sst s3  }
0xc: {  	[smem:$0x3FB2] =	sst s4  }
0xd: {  	[smem:$0x3FB3] =	sst s5  }
0xe: {  	[smem:$0x3FB4] =	sst s6  }
0xf: {  	[smem:$0x3FB5] =	sst s7  }
0x10: {  	[smem:$0x3FB6] =	sst s8  }
0x11: {  	[smem:$0x3FB7] =	sst s9;
	s0 =	simm.s32 @!p0 $0x0  }
0x12: {  	s1 =	sld [smem:$0x3F9D];
	s0 =	simm.s32 @p0 $0x1  }
0x13: {  	[smem:$0x3FB8] =	sst s0;
	s0 =	simm.s32 @!p1 $0x0  }
0x14: {  	s2 =	sld [smem:$0x3F9C];
	s0 =	simm.s32 @p1 $0x1  }
0x15: {  	[smem:$0x3FB9] =	sst s0;
	s0 =	simm.s32 @!p2 $0x0  }
0x16: {  	s3 =	sld [smem:$0x3FDB];
	s0 =	simm.s32 @p2 $0x1  }
0x17: {  	s4 =	simm.s32 $0x1BF5;
	[smem:$0x3FBB] =	sst s0  }
0x18: {  	s0 =	sld [smem:$0x3F9E];
	_ =	swait.ge [sflag:s4], $0x0  }
0x19: {  	s7 =	sld [smem:$0x3F9F]  }
0x1a: {  	s8 =	sadd.s32 $0xFFFFE003, lr  }
0x1b: {  	s9 =	sadd.s32 $0xFFFFFEF7, lr;
	s5 =	simm.s32 $0xFFFFFFFF;
	p2 =	slt.u32 s8, $0xFFFFF086  }
0x1c: {  	p1 =	slt.u32 s9, $0xF7A;
	s5 =	simm.s32 @!p2 $0x0  }
0x1d: {  	s5 =	simm.s32 @p1 $0x1;
	p0 =	seq.s32 s7, s2  }
0x1e: {  	s7 =	smul.u32 @!p0 $0xF7A, s2;
	p2 =	seq.s32 @!p0 s5, $0x0  }
0x1f: {  	s9 =	smul.u32 $0xF7A, s1;
	s8 =	simm.s32 @!p0 $0x1BF5;
	p2 =	por !p2, p0  }
0x20: {  	[sflag:s8] =	ssyncset.s32 @!p0 $0xFFFFF086;
	s6 =	sadd.s32 @!p0 s3, s7;
	s7 =	simm.s32 @!p0 $0x108  }
0x21: {  	s3 =	sadd.s32 s3, s9;
	s6 =	sadd.s32 @!p0 $0x88, s6;
	s7 =	simm.s32 @p2 $0x1082  }
0x22: {  	[simem:s7], [sflag:s8] =	dma.local @!p0 [hbm:s6], $0xF7A  }
0x23: {  	s9 =	sor.u32 $0xD0000000, s2;
	s6 =	simm.s32 $0x108;
	_ =	swait.ge @!p0 [sflag:s8], $0x0  }
0x24: {  	s3 =	sadd.s32 $0x88, s3;
	s6 =	simm.s32 @!p1 $0x1082;
	[sflag:s4] =	ssyncset.s32 $0xFFFFF086  }
0x25: {  	[simem:s6], [sflag:s4] =	dma.local [hbm:s3], $0xF7A  }
0x26: {  	[smem:$0x3F9F] =	sst s1;
	(tag) =	ssettag s2;
	_ =	strace s9  }
0x27: {  	s1 =	sld [smem:$0x3FAF]  }
0x28: {  	s2 =	sld [smem:$0x3FB0]  }
0x29: {  	s4 =	sld [smem:$0x3FB2]  }
0x2a: {  	p0 =	seq.s32 s5, $0x0;
	s5 =	sld [smem:$0x3FB3]  }
0x2b: {  	s6 =	sld [smem:$0x3FB4]  }
0x2c: {  	s7 =	sld [smem:$0x3FB5]  }
0x2d: {  	s3 =	simm.s32 $0x108;
	s8 =	sld [smem:$0x3FB6]  }
0x2e: {  	s3 =	simm.s32 @!p0 $0x1082;
	s9 =	sld [smem:$0x3FB7]  }
0x2f: {  	lr =	sadd.s32 s0, s3;
	s0 =	sld [smem:$0x3FAE]  }
0x30: {  	s3 =	sld [smem:$0x3FB1]  }
0x31: {  	[smem:$0x3FBA] =	sst s10  }
0x32: {  	s10 =	sld [smem:$0x3FB8];
	_ =	sdelay $0x3  }
0x33: {  	p0 =	seq.s32 s10, $0x1;
	s10 =	sld [smem:$0x3FBA];
	_ =	sdelay $0x3  }
0x34: {  	[smem:$0x3FBA] =	sst s10  }
0x35: {  	s10 =	sld [smem:$0x3FB9];
	_ =	sdelay $0x3  }
0x36: {  	p1 =	seq.s32 s10, $0x1;
	s10 =	sld [smem:$0x3FBA];
	_ =	sdelay $0x3  }
0x37: {  	[smem:$0x3FBA] =	sst s10  }
0x38: {  	s10 =	sld [smem:$0x3FBB]  }
0x39: {  	_ = 	snop;
	(pc) =	sbr.ind lr, $3  }
0x3a: {  	_ = 	snop  }
0x3b: {  	_ = 	snop  }
0x3c: {  	p2 =	seq.s32 s10, $0x1;
	s10 =	sld [smem:$0x3FBA]  }
0x3d: {  	_ =	shalt  }
0x3e: {  	_ =	shalt  }
0x3f: {  	_ =	shalt  }
0x40: {  	_ =	shalt  }
0x41: {  	_ =	shalt  }
0x42: {  	_ =	shalt  }
0x43: {  	_ =	shalt  }
0x44: {  	_ =	shalt  }
0x45: {  	_ =	shalt  }
0x46: {  	_ =	shalt  }
0x47: {  	_ =	shalt  }
0x48: {  	_ =	shalt  }
0x49: {  	_ =	shalt  }
0x4a: {  	_ =	shalt  }
0x4b: {  	_ =	shalt  }
0x4c: {  	_ =	shalt  }
0x4d: {  	_ =	shalt  }
0x4e: {  	_ =	shalt  }
0x4f: {  	_ =	shalt  }
0x50: {  	_ =	shalt  }
0x51: {  	_ =	shalt  }
0x52: {  	_ =	shalt  }
0x53: {  	_ =	shalt  }
0x54: {  	_ =	shalt  }
0x55: {  	_ =	shalt  }
0x56: {  	_ =	shalt  }
0x57: {  	_ =	shalt  }
0x58: {  	_ =	shalt  }
0x59: {  	_ =	shalt  }
0x5a: {  	_ =	shalt  }
0x5b: {  	_ =	shalt  }
0x5c: {  	_ =	shalt  }
0x5d: {  	_ =	shalt  }
0x5e: {  	_ =	shalt  }
0x5f: {  	_ =	shalt  }
0x60: {  	_ =	shalt  }
0x61: {  	_ =	shalt  }
0x62: {  	_ =	shalt  }
0x63: {  	_ =	shalt  }
0x64: {  	_ =	shalt  }
0x65: {  	_ =	shalt  }
0x66: {  	_ =	shalt  }
0x67: {  	_ =	shalt  }
0x68: {  	_ =	shalt  }
0x69: {  	_ =	shalt  }
0x6a: {  	_ =	shalt  }
0x6b: {  	_ =	shalt  }
0x6c: {  	_ =	shalt  }
0x6d: {  	_ =	shalt  }
0x6e: {  	_ =	shalt  }
0x6f: {  	_ =	shalt  }
0x70: {  	_ =	shalt  }
0x71: {  	_ =	shalt  }
0x72: {  	_ =	shalt  }
0x73: {  	_ =	shalt  }
0x74: {  	_ =	shalt  }
0x75: {  	_ =	shalt  }
0x76: {  	_ =	shalt  }
0x77: {  	_ =	shalt  }
0x78: {  	_ =	shalt  }
0x79: {  	_ =	shalt  }
0x7a: {  	_ =	shalt  }
0x7b: {  	_ =	shalt  }
0x7c: {  	_ =	shalt  }
0x7d: {  	_ =	shalt  }
0x7e: {  	_ =	shalt  }
0x7f: {  	_ =	shalt  }
0x80: {  	_ =	shalt  }
0x81: {  	_ =	shalt  }
0x82: {  	_ =	shalt  }
0x83: {  	_ =	shalt  }
0x84: {  	_ =	shalt  }
0x85: {  	_ =	shalt  }
0x86: {  	_ =	shalt  }
0x87: {  	_ =	shalt  }
.Lfunc_end0:
.L_simem_size_0:
called_computation_lowered:
.L_overlay_start_0:
0x88: {  	s0 =	sld [smem:$0x3FD9]  }
0x89: {  	s1 =	sld [smem:$0x3FFE];
	_ =	sdelay $0x3  }
0x8a: {  	s0 =	sadd.s32 s1, s0  }
0x8b: {  	[smem:$0x3FC6] =	sst s0  }
0x8c: {  	_ = 	snop  }
0x8d: {  	s0 =	sld [smem:$0x3FC8]  }
0x8e: {  	s16 =	sld [smem:$0x3FD0];
	(tm) =	ssettm $0x1  }
0x8f: {  	s2 =	sld [smem:$0x3FFB];
	_ =	sdelay $0x3  }
0x90: {  	_ =	strace s2  }
0x91: {  	s2 =	sld [smem:$0x3FFC];
	_ =	sdelay $0x3  }
0x92: {  	_ =	strace s2  }
0x93: {  	s2 =	sld [smem:$0x3FFD];
	_ =	sdelay $0x3  }
0x94: {  	_ =	strace s2  }
0x95: {  	_ =	strace $0x8FFFFFFF  }
0x96: {  	s17 =	sld [smem:$0x3FDB];
	_ =	sdelay $0x1  }
0x97: {  	s3 =	simm.s32 $_scs_section_size  }
0x98: {  	s4 =	simm.s32 $_size__tile_overlayer_lowered;
	s5 =	simm.s32 $_tile_overlayer_lowered  }
0x99: {  	s20 =	simm.s32 $0x1BFF;
	s19 =	sshll.u32 s5, $0x1;
	s2 =	sadd.s32 s3, s17  }
0x9a: {  	s6 =	simm.s32 $0x0;
	s18 =	sshll.u32 s4, $0x1;
	s4 =	sadd.s32 s19, s2  }
0x9b: {  	[timem:s6], [sflag:s20] =	dma.local [hbm:s4], s18  }
0x9c: {  	_ =	swait.ge [sflag:s20], s18  }
0x9d: {  	s3 =	ssub.s32 $0x0, s18;
	[sflag:s20] =	ssyncset.done $0x0  }
0x9e: {  	[sflag:s20] =	ssyncadd.s32 s3;
	_ =	sdelay $0x1  }
0x9f: {  	s21 =	simm.s32 $0x1B8B  }
0xa0: {  	_ =	swait.ge [sflag:s21], $0x1  }
0xa1: {  	[sflag:s21] =	ssyncset.done $0x0  }
0xa2: {  	s23 =	simm.s32 $0x1B8E;
	s22 =	sld [smem:$0x3FFE];
	[sflag:s21] =	ssyncadd.s32 $0xFFFFFFFF  }
0xa3: {  	s24 =	simm.s32 $execute0_lowered;
	[smem:$0x3FD2] =	sst s23  }
0xa4: {  	s4 =	sshll.u32 s24, $0x1;
	_ =	strace $0x80000046;
	[dreg:$0x1] =	wrdreg $0xFFFFFFFF  }
0xa5: {  	s25 =	simm.s32 $_size_execute0_lowered;
	s2 =	sadd.s32 s2, s4;
	[dreg:$0x0] =	wrdreg $0x0  }
0xa6: {  	s4 =	sshll.u32 s25, $0x1;
	[dreg:$0x2] =	wrdreg s2  }
0xa7: {  	[dreg:$0x3] =	wrdreg s4  }
0xa8: {  	[dreg:$0x4] =	wrdreg $0xC0  }
0xa9: {  	_ =	task [dreg:s6], $0x5FFFF  }
0xaa: {  	[dreg:$0x1] =	wrdreg $0xFFFFFFFF  }
0xab: {  	[dreg:$0x0] =	wrdreg $0x60  }
0xac: {  	[dreg:$0x2] =	wrdreg s22  }
0xad: {  	[dreg:$0x3] =	wrdreg s0  }
0xae: {  	[dreg:$0x4] =	wrdreg s16  }
0xaf: {  	[dreg:$0x5] =	wrdreg $0x9  }
0xb0: {  	_ =	task.clear_ibuf [dreg:s6], $0x6FFFF;
	_ =	strace $0x90000046  }
0xb1: {  	s26 =	simm.s32 $0x9;
	_ =	strace $0x80000048  }
0xb2: {  	_ =	swait.ge [sflag:s26], $0x1  }
0xb3: {  	[sflag:s26] =	ssyncadd.s32 $0xFFFFFFFF  }
0xb4: {  	_ =	strace $0x90000048  }
0xb5: {  	_ =	sfence  }
0xb6: {  	s28 =	sld [smem:$0x0];
	_ =	sdelay $0x1  }
0xb7: {  	s29 =	srdreg.scid  }
0xb8: {  	s30 =	sshll.u32 s29, $0xD;
	s31 =	sshrl.u32 s29, $0x2  }
0xb9: {  	s1 =	sand.u32 $0x1, s29;
	s2 =	sand.u32 $0x4000, s30;
	s0 =	sadd.s32 s31, s28  }
0xba: {  	s1 =	sor.u32 s2, s1;
	s0 =	sshll.u32 s0, $0x11  }
0xbb: {  	s0 =	sor.u32 s0, s1  }
0xbc: {  	s0 =	sadd.s32 $0x8F2B, s0  }
0xbd: {  	[sflag:s0] =	ssyncadd.remote.s32 $0x1  }
0xbe: {  	_ =	sfence.sel $0xFFFF  }
0xbf: {  	[dreg:$0x0] =	wrdreg $0xFFFFFFFF;
	(pc) =	sbr.abs _section_cstart, $3  }
0xc0: {  	[dreg:$0x1] =	wrdreg $0xFFFFFFFF  }
0xc1: {  	_ =	task.clear_ibuf [dreg:s6], $0x2FFFF;
	_ =	strace $0x9FFFFFFF  }
0xc2: {  	(tm) =	ssettm $0x7FFFFFFF  }
0xc3: {  	_ =	shalt  }
tec
execute0_lowered:
.L_overlay_start_1:
0x0: {  	(tag) =	ssettag $0x1  }
0x1: {  	s3 =	stileid.u32  }
0x2: {  	p0 =	sne.s32 s3, $0x0  }
.Ltmp0:
0x3: {  	_ = 	snop;
	(pc) =	sbr.rel @p0 .LBB2_2-.Ltmp0, $4  }
0x4: {  	s2 =	rddreg [dreg:$0x0]  }
0x5: {  	s4 =	rddreg [dreg:$0x1]  }
0x6: {  	s1 =	rddreg [dreg:$0x2]  }
0x7: {  	s0 =	rddreg [dreg:$0x3];
	_ =	strace $0x80000047  }
0x8: {  	s2 =	sadd.s32 $0x400, s2;
	s3 =	simm.s32 $0x0;
	s28 =	simm.s32 $0x2  }
0x9: {  	[tilespmem:s3], [sflag:$0x2] =	stream.linear.gather [hbm4b:s2+s3], $0x80, $0x38;
	[tilespmem:$0x1200] =	vst v63  }
0xa: {  	_ =	swait.ge [sflag:s28], $0x80  }
0xb: {  	[sflag:s28] =	ssyncset.done $0x0  }
0xc: {  	[sflag:s28] =	ssyncadd.s32 $0xFFFFFF80  }
0xd: {  	v1 =	vimm.s32 $0x0;
	v13 =	vimm.s32 $0x42411614;
	v4 =	vimm.s32 $0x17913B41;
	v0 =	vld [tilespmem:$0x0]  }
0xe: {  	v5 =	vimm.s32 $0x56522755;
	v24 =	vimm.s32 $0xBEBDEBE9;
	v4 =	vunpack.c.l.s4.s8 v4  }
0xf: {  	v14 =	vimm.s32 $0x3802A00;
	v5 =	vunpack.c.l.s4.s8 v5;
	v26 =	vunpack.c.l.s4.s8 v24  }
0x10: {  	v18 =	vimm.s32 $0x7A9669A7;
	v25 =	vimm.s32 $0x7FFCFFD5;
	v4 =	vunpack.c.0.s8.s32 v4  }
0x11: {  	v27 =	vunpack.c.l.s4.s8 v25;
	v15 =	vunpack.c.0.s8.s32 v5;
	v31 =	vunpack.c.0.s8.s32 v26  }
0x12: {  	v4 =	vand.u32 $0xF, v4;
	vm0 =	vgt.s32 v0, $0x1;
	vm1 =	vgt.s32 v0, $0x3  }
0x13: {  	vm4 =	vgt.s32 v0, $0x7;
	vm5 =	vgt.s32 v0, $0xF;
	vm6 =	vgt.s32 v0, $0x1F  }
0x14: {  	vm7 =	vgt.s32 v0, $0x3F;
	vm8 =	vgt.s32 v0, $0x7F;
	vm9 =	vgt.s32 v0, $0xFF  }
0x15: {  	vm10 =	vgt.s32 v0, $0x1FF;
	vm11 =	vgt.s32 v0, $0x3FF;
	vm12 =	vgt.s32 v0, $0x7FF  }
0x16: {  	vm13 =	vgt.s32 v0, $0xFFF;
	vm14 =	vgt.s32 v0, $0x1FFF;
	vm15 =	vgt.s32 v0, $0x3FFF  }
0x17: {  	v0 =	vunpack.c.l.s4.s8 v13;
	v2 =	vsel vm0, $0x1, v1;
	v3 =	vsel vm1, $0x1, v1  }
0x18: {  	v60 =	vsel vm4, $0x1, v1;
	v61 =	vsel vm5, $0x1, v1;
	v62 =	vsel vm6, $0x1, v1  }
0x19: {  	v63 =	vsel vm7, $0x1, v1;
	v6 =	vsel vm8, $0x1, v1;
	v2 =	vadd.s32 v3, v2  }
0x1a: {  	v7 =	vsel vm9, $0x1, v1;
	v3 =	vunpack.c.l.s4.s8 v14;
	v2 =	vadd.s32 v60, v2  }
0x1b: {  	v8 =	vsel vm10, $0x1, v1;
	v9 =	vsel vm11, $0x1, v1;
	v2 =	vadd.s32 v61, v2  }
0x1c: {  	v10 =	vsel vm12, $0x1, v1;
	v3 =	vunpack.c.0.s8.s32 v3;
	v2 =	vadd.s32 v62, v2  }
0x1d: {  	v11 =	vsel vm13, $0x1, v1;
	v0 =	vunpack.c.0.s8.s32 v0;
	v2 =	vadd.s32 v63, v2  }
0x1e: {  	v12 =	vsel vm14, $0x1, v1;
	v3 =	vand.u32 $0xF, v3;
	v2 =	vadd.s32 v6, v2  }
0x1f: {  	v6 =	vimm.s32 $0x69855896;
	v0 =	vcombine.low v3, v0;
	v2 =	vadd.s32 v7, v2  }
0x20: {  	v7 =	vimm.s32 $0x2AC46C82;
	v6 =	vunpack.c.l.s4.s8 v6;
	v2 =	vadd.s32 v8, v2  }
0x21: {  	v7 =	vunpack.c.l.s4.s8 v7;
	v8 =	vimm.s32 $0x3BD57D93;
	v2 =	vadd.s32 v9, v2  }
0x22: {  	v9 =	vimm.s32 $0xADA9AAD8;
	v8 =	vunpack.c.l.s4.s8 v8;
	v2 =	vadd.s32 v10, v2  }
0x23: {  	v17 =	vunpack.c.0.s8.s32 v7;
	v7 =	vunpack.c.l.s4.s8 v18;
	v10 =	vimm.s32 $0x6EE8BEC4  }
0x24: {  	v16 =	vunpack.c.0.s8.s32 v6;
	v9 =	vunpack.c.l.s4.s8 v9;
	v20 =	vunpack.c.l.s4.s8 v10  }
0x25: {  	v3 =	vcombine.low v4, v15;
	v22 =	vunpack.c.0.s8.s32 v8;
	v21 =	vunpack.c.0.s8.s32 v7  }
0x26: {  	v19 =	vcombine.low v17, v16;
	v23 =	vunpack.c.0.s8.s32 v9;
	v5 =	vunpack.c.0.s8.s32 v20  }
0x27: {  	v1 =	vsel vm15, $0x1, v1;
	v2 =	vadd.s32 v11, v2;
	v6 =	vcombine.low v22, v21  }
0x28: {  	v2 =	vadd.s32 v12, v2;
	v28 =	vand.u32 $0xF, v19;
	v29 =	vcombine.low v5, v23  }
0x29: {  	v32 =	vunpack.c.0.s8.s32 v27;
	v1 =	vadd.s32 v1, v2;
	v30 =	vand.u32 $0xF, v6  }
0x2a: {  	s5 =	simm.s32 $0x80;
	v36 =	vimm.s32 $0x16802940;
	v37 =	vimm.s32 $0x55411554;
	[tilespmem:$0x80] =	vst v1;
	v33 =	vand.u32 $0xF, v29  }
0x2b: {  	v39 =	vimm.s32 $0x66522665;
	v40 =	vimm.s32 $0x27913A51;
	v34 =	vcombine.low v32, v31;
	v0 =	vld.idx.msk [tilespmem:v0+s5+$0x0], $0xffff  }
0x2c: {  	v43 =	vimm.s32 $0x79655796;
	v44 =	vimm.s32 $0x3AA46B82;
	v45 =	vimm.s32 $0x9A8669A8;
	v3 =	vld.idx.msk [tilespmem:v3+s5+$0x0], $0xffff  }
0x2d: {  	v46 =	vimm.s32 $0x5BC57D94;
	v47 =	vimm.s32 $0xAD999AD9;
	v4 =	vand.u32 $0xF, v34;
	v2 =	vld.idx.msk [tilespmem:v28+s5+$0x0], $0xffff  }
0x2e: {  	v48 =	vimm.s32 $0x6ED8AEC5;
	v52 =	vimm.s32 $0xBEAAABEA;
	v8 =	vunpack.c.l.s4.s8 v46;
	v5 =	vld.idx.msk [tilespmem:v30+s5+$0x0], $0xffff  }
0x2f: {  	v53 =	vimm.s32 $0x7FE9BFD6;
	v49 =	vunpack.c.l.s4.s8 v48;
	v7 =	vunpack.c.l.s4.s8 v45;
	v1 =	vld.idx.msk [tilespmem:v33+s5+$0x0], $0xffff  }
0x30: {  	v11 =	vlaneseq.u32;
	v9 =	vunpack.c.l.s4.s8 v47;
	v8 =	vunpack.c.0.s8.s32 v8  }
0x31: {  	v7 =	vunpack.c.0.s8.s32 v7;
	v0 =	vshll.u32 v0, $0x8;
	v3 =	vshll.u32 v3, $0x4  }
0x32: {  	v51 =	vunpack.c.0.s8.s32 v9;
	v9 =	vunpack.c.l.s4.s8 v53;
	v4 =	vld.idx.msk [tilespmem:v4+s5+$0x0], $0xffff;
	v0 =	vadd.s32 v0, v3  }
0x33: {  	v6 =	vunpack.c.l.s4.s8 v44;
	v0 =	vadd.s32 v2, v0;
	v2 =	vunpack.c.l.s4.s8 v36  }
0x34: {  	v35 =	vshll.u32 v5, $0x8;
	v5 =	vunpack.c.l.s4.s8 v40;
	v1 =	vshll.u32 v1, $0x4  }
0x35: {  	v0 =	vshll.u32 v0, $0xC;
	v2 =	vunpack.c.0.s8.s32 v2;
	v1 =	vadd.s32 v1, v35  }
0x36: {  	v42 =	vunpack.c.0.s8.s32 v5;
	v5 =	vunpack.c.l.s4.s8 v43;
	v0 =	vadd.s32 v1, v0  }
0x37: {  	v1 =	vunpack.c.l.s4.s8 v37;
	v0 =	vadd.s32 v4, v0;
	v4 =	vunpack.c.l.s4.s8 v39  }
0x38: {  	v50 =	vcombine.low v8, v7;
	v6 =	vunpack.c.0.s8.s32 v6;
	v5 =	vunpack.c.0.s8.s32 v5  }
0x39: {  	v2 =	vand.u32 $0xF, v2;
	v1 =	vunpack.c.0.s8.s32 v1;
	v41 =	vunpack.c.0.s8.s32 v4  }
0x3a: {  	v4 =	vand.u32 $0xF, v42;
	v5 =	vcombine.low v6, v5;
	v6 =	vand.u32 $0xF, v50  }
0x3b: {  	v1 =	vcombine.low v2, v1;
	v2 =	vcombine.low v4, v41;
	v4 =	vunpack.c.0.s8.s32 v49  }
0x3c: {  	v54 =	vshrl.u32 v11, $0x3;
	v8 =	vunpack.c.l.s4.s8 v52;
	v38 =	vshrl.u32 v0, $0x5  }
0x3d: {  	v56 =	vunpack.c.0.s8.s32 v9;
	v3 =	vand.u32 $0x7FFFFFC, v38;
	v4 =	vcombine.low v4, v51  }
0x3e: {  	v55 =	vunpack.c.0.s8.s32 v8;
	v3 =	vor.u32 v54, v3;
	v5 =	vand.u32 $0xF, v5  }
0x3f: {  	[tilespmem:$0x100] =	vst v3;
	v57 =	vand.u32 $0xF, v4  }
0x40: {  	v58 =	vcombine.low v56, v55;
	v6 =	vld.idx.msk [tilespmem:v6+s5+$0x0], $0xffff  }
0x41: {  	v1 =	vld.idx.msk [tilespmem:v1+s5+$0x0], $0xffff  }
0x42: {  	v4 =	vand.u32 $0xF, v58;
	v2 =	vld.idx.msk [tilespmem:v2+s5+$0x0], $0xffff  }
0x43: {  	v5 =	vld.idx.msk [tilespmem:v5+s5+$0x0], $0xffff  }
0x44: {  	v3 =	vld.idx.msk [tilespmem:v57+s5+$0x0], $0xffff;
	_ =	sdelay $0x2  }
0x45: {  	v4 =	vld.idx.msk [tilespmem:v4+s5+$0x0], $0xffff;
	v1 =	vshll.u32 v1, $0x8;
	v2 =	vshll.u32 v2, $0x4  }
0x46: {  	v1 =	vadd.s32 v1, v2  }
0x47: {  	v59 =	vshll.u32 v6, $0x8;
	v1 =	vadd.s32 v5, v1;
	v3 =	vshll.u32 v3, $0x4  }
0x48: {  	v1 =	vshll.u32 v1, $0xC;
	v2 =	vadd.s32 v3, v59  }
0x49: {  	v1 =	vadd.s32 v2, v1  }
0x4a: {  	v1 =	vadd.s32 v4, v1  }
0x4b: {  	v60 =	vshrl.u32 v1, $0x5  }
0x4c: {  	v62 =	vmul.u32 $0x80, v11;
	v61 =	vor.u32 $0x2, v54;
	v2 =	vand.u32 $0x7FFFFFC, v60  }
0x4d: {  	s29 =	simm.s32 $0x20;
	v0 =	vand.u32 $0x7F, v0;
	v2 =	vor.u32 v61, v2  }
0x4e: {  	s6 =	simm.s32 $0x100;
	s7 =	simm.s32 $0x180;
	s30 =	simm.s32 $0x1;
	v63 =	vor.u32 $0x800, v62;
	v0 =	vor.u32 v62, v0;
	v1 =	vand.u32 $0x7F, v1;
	[tilespmem:$0x110] =	vst v2  }
0x4f: {  	v1 =	vor.u32 v63, v1;
	[tilespmem:s7], [sflag:$0x1] =	stream.indirect.gather [hbm4b:s4+s29], $0x80, s6, s29, $0xb8;
	[tilespmem:$0x1200] =	vst v63  }
0x50: {  	_ =	swait.ge [sflag:s30], $0x1000  }
0x51: {  	[sflag:s30] =	ssyncset.done $0x0  }
0x52: {  	[sflag:s30] =	ssyncadd.s32 $0xFFFFF000  }
0x53: {  	v0 =	vld.idx.msk [tilespmem:v0+s7+$0x0], $0xffff  }
0x54: {  	v1 =	vld.idx.msk [tilespmem:v1+s7+$0x0], $0xffff;
	_ =	sdelay $0x4  }
0x55: {  	v0 =	vadd.f32 v1, v0;
	_ =	sdelay $0x1  }
0x56: {  	(xrf2) =	vadd.scan.msk.f32 $0xffff, v0;
	_ =	sdelay $0x9  }
0x57: {  	v0, _, _ =	vpop (xrf2)  }
0x58: {  	v0 =	vbroadcast v0, $0xF;
	_ =	sdelay $0x1  }
0x59: {  	s31 =	simm.s32 $0x1180;
	[tilespmem:$0x1180] =	vst v0  }
0x5a: {  	[hbm4b:s1+s3] =	stream.linear.scatter [tilespmem:s31], [sflag:$0x2], $0x80, $0x38;
	[tilespmem:$0x1200] =	vst v63  }
0x5b: {  	_ =	swait.ge [sflag:s28], $0x80  }
0x5c: {  	[sflag:s28] =	ssyncset.done $0x0  }
0x5d: {  	[sflag:s28] =	ssyncadd.s32 $0xFFFFFF80  }
.LBB2_2:
0x5e: {  	_ =	sfence.sel $0x180000  }
0x5f: {  	[bflag:$0x0] =	sbarrier.arrive $0xFFFF  }
0x60: {  	_ =	strace $0x90000047  }
0x61: {  	s0 =	sadd.s32 @!p0 $0x100000, s0;
	[bflag:$0x2] =	sbarrier.arrive $0xFFFF  }
0x62: {  	[sflag:s0] =	ssyncadd.tile.s32 @!p0 $0x1;
	_ =	shalt  }
.Lfunc_end2:
_tile_overlayer_lowered:
.L_overlay_start_2:
0x63: {  	(tag) =	ssettag $0x2  }
0x64: {  	s0 =	rddreg [dreg:$0x0];
	s2 =	stileid.u32  }
0x65: {  	s1 =	rddreg [dreg:$0x1];
	p0 =	sne.s32 s2, $0x0  }
0x66: {  	s3 =	rddreg [dreg:$0x2];
	[bflag:$0x3] =	sbarrier.arrive $0xFFFF;
	s2 =	simm.s32 @!p0 $0x1C02  }
0x67: {  	[timem:s3], [sflag:s2] =	dma.local @!p0 [hbm:s0], s1  }
0x68: {  	s0 =	simm.s32 @!p0 $0x2  }
0x69: {  	_ =	swait.ge @!p0 [sflag:s0], s1  }
0x6a: {  	s1 =	ssub.s32 @!p0 $0x0, s1;
	[sflag:s0] =	ssyncset.done @!p0 $0x0  }
0x6b: {  	[sflag:s0] =	ssyncadd.s32 @!p0 s1  }
0x6c: {  	[bflag:$0x3] =	sbarrier.arrive $0xFFFF  }
0x6d: {  	_ =	shalt  }

</sc_bundles>
